<compile_context>
chip_gen: v7x
topology: tpu7x:2x2x1
jax: 0.10.2.dev20260603
libtpu: 0.0.44.dev20260713+nightly
codegen_flags: <defaults>
</compile_context>

<pallas_src>
import jax, jax.numpy as jnp
from jax.experimental import pallas as pl
from jax.experimental.pallas import tpu as pltpu
B, L, H, D = 2, 4096, 16, 64
BH = B * H

def _copy(x_ref, o_ref):
    o_ref[...] = x_ref[...]

def kernel(query, key, value, Wl, bl):
    arrA = query.reshape(B, L, H * D)
    outA = pl.pallas_call(
        _copy, grid=(B, 8),
        in_specs=[pl.BlockSpec((1, L // 8, H * D), lambda b, c: (b, c, 0))],
        out_specs=pl.BlockSpec((1, L // 8, H * D), lambda b, c: (b, c, 0)),
        out_shape=jax.ShapeDtypeStruct((B, L, H * D), jnp.float32),
    )(arrA)
    arrB = jnp.zeros((BH, L, D), jnp.float32) + key[0, 0, 0, 0]
    outB = pl.pallas_call(
        _copy, grid=(BH,),
        in_specs=[pl.BlockSpec((1, L, D), lambda bh: (bh, 0, 0))],
        out_specs=pl.BlockSpec((1, L, D), lambda bh: (bh, 0, 0)),
        out_shape=jax.ShapeDtypeStruct((BH, L, D), jnp.float32),
    )(arrB)
    return outA[0, 0, 0] + outB.reshape(B, H, L, D)

# --- scband reference (transcript-rebuilt; emitter-appended) ---
"""Pipeline reference for scband-sparse-linear-attention-impl-35442070126841 (READ-ONLY COPY).

The authoritative reference and input builder live on the scoring server;
editing this copy changes nothing except your own understanding.
"""

import jax, jax.numpy as jnp
import numpy as np

B, L, H, D = 2, 4096, 16, 64
BLKQ, BLKK = 128, 64
TOPK_RATIO = 0.1


def setup_inputs():
    rng = jax.random.key(0)
    k1, k2, k3 = jax.random.split(rng, 3)
    query = jax.random.normal(k1, (B, L, H, D), dtype=jnp.float32)
    key = jax.random.normal(k2, (B, L, H, D), dtype=jnp.float32)
    value = jax.random.normal(k3, (B, L, H, D), dtype=jnp.float32)
    # proj_l is zero-initialized in the module (_init_weights)
    Wl = jnp.zeros((D, D), dtype=jnp.float32)
    bl = jnp.zeros((D,), dtype=jnp.float32)
    return {"query": query, "key": key, "value": value, "Wl": Wl, "bl": bl}


def _forward(query, key, value, Wl, bl):
    # (B, L, H, D) -> (B, H, L, D)
    q = jnp.transpose(query, (0, 2, 1, 3))
    k = jnp.transpose(key, (0, 2, 1, 3))
    v = jnp.transpose(value, (0, 2, 1, 3))

    # ---- get_block_map ----
    arg_k = k - jnp.mean(k, axis=-2, keepdims=True)
    Mq = L // BLKQ
    Kb = L // BLKK
    pooled_q = q.reshape(B, H, Mq, BLKQ, D).mean(axis=3)
    pooled_k = arg_k.reshape(B, H, Kb, BLKK, D).mean(axis=3)
    pooled_score = jnp.einsum('bhmd,bhkd->bhmk', pooled_q, pooled_k)
    topk = min(Kb, int(TOPK_RATIO * Kb))
    lut = jax.lax.top_k(jax.lax.stop_gradient(pooled_score), topk)[1]  # (B,H,Mq,topk)

    # ---- sparse block attention (flash-style, exact softmax over selected blocks) ----
    qk_scale = D ** (-0.5)
    qb = q.reshape(B, H, Mq, BLKQ, D)
    kb = k.reshape(B, H, Kb, BLKK, D)
    vb = v.reshape(B, H, Kb, BLKK, D)
    bidx = jnp.arange(B)[:, None, None, None]
    hidx = jnp.arange(H)[None, :, None, None]
    k_sel = kb[bidx, hidx, lut]  # (B,H,Mq,topk,BLKK,D)
    v_sel = vb[bidx, hidx, lut]  # (B,H,Mq,topk,BLKK,D)
    qk = jnp.einsum('bhmqd,bhmtnd->bhmqtn', qb, k_sel) * qk_scale
    qk = qk.reshape(B, H, Mq, BLKQ, topk * BLKK)
    p = jax.nn.softmax(qk, axis=-1)
    o_s = jnp.einsum('bhmqt,bhmtd->bhmqd', p, v_sel.reshape(B, H, Mq, topk * BLKK, D))
    o_s = o_s.reshape(B, H, L, D)

    # ---- linear attention branch ----
    qf = jax.nn.softmax(q, axis=-1)
    kf = jax.nn.softmax(k, axis=-1)
    kv = jnp.einsum('bhld,bhle->bhde', kf, v)
    k_sum = jnp.sum(kf, axis=-2, keepdims=True)  # (B,H,1,D)
    num = jnp.einsum('bhld,bhde->bhle', qf, kv)
    den = 1e-5 + jnp.einsum('bhld,bhkd->bhlk', qf, k_sum)  # (B,H,L,1)
    o_l = num / den
    o_l = jnp.einsum('bhld,ed->bhle', o_l, Wl) + bl

    return o_s + o_l


def reference(query, key, value, Wl, bl):
    return _forward(query, key, value, Wl, bl)

if __name__ == "__main__":
    import jax
    _d = setup_inputs()
    print(jax.jit(kernel)(*tuple(_d.values())))

</pallas_src>

<mosaic_0001>
module attributes {stable_mosaic.version = 14 : i64} {
  func.func @_copy(%arg0: i32, %arg1: memref<1x4096x64xf32, #tpu.memory_space<vmem>>, %arg2: memref<1x4096x64xf32, #tpu.memory_space<vmem>>) attributes {dimension_semantics = [#tpu.dimension_semantics<arbitrary>], iteration_bounds = array<i64: 32>, scalar_prefetch = 0 : i64, scratch_operands = 0 : i64, tpu.core_type = #tpu.core_type<tc>, window_params = [{transform_indices = @transform_0, window_bounds = array<i64: 1, 4096, 64>}, {transform_indices = @transform_1, window_bounds = array<i64: 1, 4096, 64>}]} {
    %get3A = arith.constant 0 : index
    %get3A_0 = arith.constant 0 : index
    %get3A_1 = arith.constant 0 : index
    %get3A_2 = vector.load %arg1[%get3A, %get3A_0, %get3A_1] : memref<1x4096x64xf32, #tpu.memory_space<vmem>>, vector<1x4096x64xf32>
    %swap3A = arith.constant 0 : index
    %swap3A_3 = arith.constant 0 : index
    %swap3A_4 = arith.constant 0 : index
    %swap3A_5 = vector.load %arg2[%swap3A, %swap3A_3, %swap3A_4] : memref<1x4096x64xf32, #tpu.memory_space<vmem>>, vector<1x4096x64xf32>
    tpu.vector_store %arg2[%swap3A, %swap3A_3, %swap3A_4], %get3A_2 {strides = array<i32>} : memref<1x4096x64xf32, #tpu.memory_space<vmem>>, vector<1x4096x64xf32>,
    return
  }
  func.func @transform_0(%arg0: i32) -> (i32, i32, i32) {
    %c0_i32 = arith.constant 0 : i32
    %c0_i32_0 = arith.constant 0 : i32
    %c0_i32_1 = arith.constant 0 : i32
    return %arg0, %c0_i32, %c0_i32_0 : i32, i32, i32
  }
  func.func @transform_1(%arg0: i32) -> (i32, i32, i32) {
    %c0_i32 = arith.constant 0 : i32
    %c0_i32_0 = arith.constant 0 : i32
    %c0_i32_1 = arith.constant 0 : i32
    return %arg0, %c0_i32, %c0_i32_0 : i32, i32, i32
  }
}

module attributes {stable_mosaic.version = 14 : i64} {
  func.func @_copy(%arg0: i32, %arg1: i32, %arg2: memref<1x512x1024xf32, #tpu.memory_space<vmem>>, %arg3: memref<1x512x1024xf32, #tpu.memory_space<vmem>>) attributes {dimension_semantics = [#tpu.dimension_semantics<arbitrary>, #tpu.dimension_semantics<arbitrary>], iteration_bounds = array<i64: 2, 8>, scalar_prefetch = 0 : i64, scratch_operands = 0 : i64, tpu.core_type = #tpu.core_type<tc>, window_params = [{transform_indices = @transform_0, window_bounds = array<i64: 1, 512, 1024>}, {transform_indices = @transform_1, window_bounds = array<i64: 1, 512, 1024>}]} {
    %get3A = arith.constant 0 : index
    %get3A_0 = arith.constant 0 : index
    %get3A_1 = arith.constant 0 : index
    %get3A_2 = vector.load %arg2[%get3A, %get3A_0, %get3A_1] : memref<1x512x1024xf32, #tpu.memory_space<vmem>>, vector<1x512x1024xf32>
    %swap3A = arith.constant 0 : index
    %swap3A_3 = arith.constant 0 : index
    %swap3A_4 = arith.constant 0 : index
    %swap3A_5 = vector.load %arg3[%swap3A, %swap3A_3, %swap3A_4] : memref<1x512x1024xf32, #tpu.memory_space<vmem>>, vector<1x512x1024xf32>
    tpu.vector_store %arg3[%swap3A, %swap3A_3, %swap3A_4], %get3A_2 {strides = array<i32>} : memref<1x512x1024xf32, #tpu.memory_space<vmem>>, vector<1x512x1024xf32>,
    return
  }
  func.func @transform_0(%arg0: i32, %arg1: i32) -> (i32, i32, i32) {
    %c0_i32 = arith.constant 0 : i32
    %c0_i32_0 = arith.constant 0 : i32
    return %arg0, %arg1, %c0_i32 : i32, i32, i32
  }
  func.func @transform_1(%arg0: i32, %arg1: i32) -> (i32, i32, i32) {
    %c0_i32 = arith.constant 0 : i32
    %c0_i32_0 = arith.constant 0 : i32
    return %arg0, %arg1, %c0_i32 : i32, i32, i32
  }
}

</mosaic_0001>

<sc_bundles>
// kernel: sparse-core-data-format-call.cloned.1.call-start
scs
called_computation_lowered:
.L_overlay_start_0:
0x0: {  	s2 =	sld [smem:$0x3FD9]  }
0x1: {  	s3 =	sld [smem:$0x3FFE];
	_ =	sdelay $0x1  }
0x2: {  	s1 =	srdreg.scid  }
0x3: {  	s0 =	sand.u32 $0x1, s1  }
0x4: {  	s18 =	sshll.u32 s0, $0xA;
	s2 =	sadd.s32 s3, s2  }
0x5: {  	s2 =	sadd.s32 s2, s18  }
0x6: {  	[smem:$0x3FC6] =	sst s2  }
0x7: {  	_ = 	snop  }
0x8: {  	s2 =	sld [smem:$0x3FD0];
	(tm) =	ssettm $0x1  }
0x9: {  	s19 =	sld [smem:$0x3FFB];
	_ =	sdelay $0x3  }
0xa: {  	_ =	strace s19  }
0xb: {  	s3 =	sld [smem:$0x3FFC];
	_ =	sdelay $0x3  }
0xc: {  	_ =	strace s3  }
0xd: {  	s3 =	sld [smem:$0x3FFD];
	_ =	sdelay $0x3  }
0xe: {  	_ =	strace s3  }
0xf: {  	_ =	strace $0x8FFFFFFF  }
0x10: {  	s20 =	sld [smem:$0x3FDB];
	_ =	sdelay $0x1  }
0x11: {  	s4 =	simm.s32 $_scs_section_size  }
0x12: {  	s5 =	simm.s32 $_size__tile_overlayer_lowered;
	s6 =	simm.s32 $_tile_overlayer_lowered  }
0x13: {  	s23 =	simm.s32 $0x1BFF;
	s22 =	sshll.u32 s6, $0x1;
	s3 =	sadd.s32 s4, s20  }
0x14: {  	s7 =	simm.s32 $0x0;
	s21 =	sshll.u32 s5, $0x1;
	s5 =	sadd.s32 s22, s3  }
0x15: {  	[timem:s7], [sflag:s23] =	dma.local [hbm:s5], s21  }
0x16: {  	_ =	swait.ge [sflag:s23], s21  }
0x17: {  	s4 =	ssub.s32 $0x0, s21;
	[sflag:s23] =	ssyncset.done $0x0  }
0x18: {  	[sflag:s23] =	ssyncadd.s32 s4;
	_ =	sdelay $0x1  }
0x19: {  	s24 =	simm.s32 $0x1B8B  }
0x1a: {  	_ =	swait.ge [sflag:s24], $0x1  }
0x1b: {  	[sflag:s24] =	ssyncset.done $0x0  }
0x1c: {  	s26 =	simm.s32 $0x1B8E;
	s25 =	sld [smem:$0x3FFE];
	[sflag:s24] =	ssyncadd.s32 $0xFFFFFFFF  }
0x1d: {  	s27 =	simm.s32 $execute0_lowered;
	[smem:$0x3FD2] =	sst s26  }
0x1e: {  	s5 =	sshll.u32 s27, $0x1;
	_ =	strace $0x80000046;
	[dreg:$0x1] =	wrdreg $0xFFFFFFFF  }
0x1f: {  	s28 =	simm.s32 $_size_execute0_lowered;
	s3 =	sadd.s32 s3, s5;
	[dreg:$0x0] =	wrdreg $0x0  }
0x20: {  	s5 =	sshll.u32 s28, $0x1;
	[dreg:$0x2] =	wrdreg s3  }
0x21: {  	[dreg:$0x3] =	wrdreg s5  }
0x22: {  	[dreg:$0x4] =	wrdreg $0xC0  }
0x23: {  	_ =	task [dreg:s7], $0x5FFFF  }
0x24: {  	[dreg:$0x1] =	wrdreg $0xFFFFFFFF  }
0x25: {  	[dreg:$0x0] =	wrdreg $0x60  }
0x26: {  	[dreg:$0x2] =	wrdreg s25  }
0x27: {  	[dreg:$0x3] =	wrdreg s2  }
0x28: {  	[dreg:$0x4] =	wrdreg $0x9  }
0x29: {  	_ =	task.clear_ibuf [dreg:s7], $0x5FFFF;
	_ =	strace $0x90000046  }
0x2a: {  	s29 =	simm.s32 $0x9;
	_ =	strace $0x80000048  }
0x2b: {  	_ =	swait.ge [sflag:s29], $0x1  }
0x2c: {  	[sflag:s29] =	ssyncadd.s32 $0xFFFFFFFF  }
0x2d: {  	_ =	strace $0x90000048  }
0x2e: {  	_ =	sfence  }
0x2f: {  	s30 =	sld [smem:$0x0];
	_ =	sdelay $0x2  }
0x30: {  	s31 =	sshll.u32 s1, $0xD;
	s1 =	sshrl.u32 s1, $0x2  }
0x31: {  	s3 =	sand.u32 $0x4000, s31;
	s1 =	sadd.s32 s1, s30  }
0x32: {  	s0 =	sor.u32 s3, s0;
	s1 =	sshll.u32 s1, $0x11  }
0x33: {  	s0 =	sor.u32 s1, s0  }
0x34: {  	s0 =	sadd.s32 $0x8F2B, s0  }
0x35: {  	[sflag:s0] =	ssyncadd.remote.s32 $0x1  }
0x36: {  	_ =	sfence.sel $0xFFFF  }
0x37: {  	[dreg:$0x0] =	wrdreg $0xFFFFFFFF;
	(pc) =	sbr.abs _section_cstart, $3  }
0x38: {  	[dreg:$0x1] =	wrdreg $0xFFFFFFFF  }
0x39: {  	_ =	task.clear_ibuf [dreg:s7], $0x2FFFF;
	_ =	strace $0x9FFFFFFF  }
0x3a: {  	(tm) =	ssettm $0x7FFFFFFF  }
0x3b: {  	_ =	shalt  }
tec
execute0_lowered:
.L_overlay_start_1:
0x0: {  	(tag) =	ssettag $0x1  }
0x1: {  	s9 =	rddreg [dreg:$0x0]  }
0x2: {  	s1 =	rddreg [dreg:$0x1];
	s0 =	stileid.u32  }
0x3: {  	s4 =	srdreg.scid;
	s31 =	simm.s32 $0x2;
	s16 =	simm.s32 $0x0  }
0x4: {  	s11 =	simm.s32 $0x8000;
	s17 =	simm.s32 $0x0;
	s18 =	simm.s32 $0x0  }
0x5: {  	s15 =	simm.s32 $0x0;
	s2 =	sand.u32 $0x1, s0;
	s3 =	sand.u32 $0xE, s0  }
0x6: {  	s4 =	sshll.u32 s4, $0x7;
	s5 =	ssub.s32 $0x2, s2;
	s6 =	ssub.s32 $0x10, s3  }
0x7: {  	s4 =	sand.u32 $0x80, s4;
	s13 =	smov.u32 s3;
	s8 =	sand.u32 $0xE, s6  }
0x8: {  	s7 =	sshrl.u32 s5, $0x1;
	p0 =	sne.s32 s8, $0x0;
	s8 =	simm.s32 $0x1  }
0x9: {  	s5 =	sand.u32 $0x1, s5;
	s6 =	sshrl.u32 s6, $0x4;
	s8 =	simm.s32 @!p0 $0x0  }
0xa: {  	s10 =	ssub.s32 $0x1000, s4;
	s5 =	sadd.s32 s5, s7;
	s6 =	sadd.s32 s8, s6  }
0xb: {  	s14 =	smov.u32 s2;
	s28 =	sshrl.u32 s10, $0x7;
	s30 =	smul.u32 s5, s6  }
.Ltmp0:
0xc: {  	s29 =	sshrl.u32 s10, $0x8;
	s7 =	sand.u32 $0x1, s28;
	(pc) =	sbr.rel .LBB1_1-.Ltmp0, $4  }
0xd: {  	s12 =	smov.u32 s4;
	s7 =	sadd.s32 s29, s7;
	s5 =	rddreg [dreg:$0x2]  }
0xe: {  	_ =	strace $0x80000047;
	s6 =	simm.s32 $0x1;
	s7 =	smul.u32 s7, s30  }
0xf: {  	p0 =	por $0x0, $0x0;
	s8 =	sadd.s32 $0x200400, s9;
	[sflag:s6] =	ssyncpa.u1 $0x0  }
0x10: {  	s9 =	sadd.s32 $0x210400, s9;
	[sflag:s31] =	ssyncpa.u1 $0x0;
	s10 =	sadd.s32 $0x1, s7  }
.LBB1_7:
0x11: {  	s19 =	sadd.s32 $0x100, s12  }
0x12: {  	s16 =	sadd.s32 $0x10, s13;
	s20 =	smov.u32 s13;
	p2 =	sgt.s32 s19, $0xFFF  }
0x13: {  	s20 =	smov.u32 @p2 s16  }
0x14: {  	s22 =	smov.u32 s14;
	s16 =	sadd.s32 $0x2, s14;
	p3 =	sgt.s32 s20, $0xF  }
0x15: {  	s22 =	smov.u32 @p3 s16  }
0x16: {  	s19 =	smov.u32 @p2 s4;
	p2 =	sgt.s32 s22, $0x1  }
0x17: {  	p1 =	slt.u32 s15, $0x2;
	s22 =	smov.u32 @p2 s2;
	p2 =	sne.s32 s15, s10  }
.Ltmp1:
0x18: {  	s21 =	simm.s32 @!p1 $0x2;
	(pc) =	sbr.rel @!p2 .LBB1_8-.Ltmp1, $4  }
0x19: {  	s17 =	smov.u32 s13;
	s18 =	smov.u32 s14;
	_ =	swait.ge @!p1 [sflag:s21], $0x4000  }
0x1a: {  	p0 =	por !p0, !p0;
	[sflag:s21] =	ssyncset.done @!p1 $0x0;
	s20 =	smov.u32 @p3 s3  }
0x1b: {  	s16 =	smov.u32 s12;
	[sflag:s21] =	ssyncadd.s32 @!p1 $0xFFFFC000;
	s12 =	smov.u32 s19  }
0x1c: {  	s13 =	smov.u32 s20;
	s15 =	sadd.s32 $0x1, s15;
	s14 =	smov.u32 s22  }
.LBB1_1:
0x1d: {  	p1 =	sge.u32 s15, s7  }
0x1e: {  	s19 =	sxor.u32 @!p1 $0xFFFFFFFF, s15;
	s20 =	sshll.u32 @!p1 s14, $0x14  }
0x1f: {  	s21 =	sshll.u32 @!p1 s13, $0x10;
	s23 =	sshll.u32 @!p1 s12, $0x4;
	s24 =	simm.s32 @!p1 $0x40  }
0x20: {  	s25 =	simm.s32 @!p1 $0x80;
	s19 =	sshll.u32 @!p1 s19, $0xE;
	s22 =	sadd.s32 @!p1 s20, s21  }
0x21: {  	s23 =	sand.u32 @!p1 $0xFFF0, s23;
	s20 =	sadd.s32 @!p1 s20, s9;
	s22 =	sadd.s32 @!p1 s8, s22  }
0x22: {  	s19 =	sand.u32 @!p1 $0x4000, s19;
	s20 =	sadd.s32 @!p1 s21, s20;
	s22 =	sadd.s32 @!p1 s23, s22  }
0x23: {  	[tilespmem:s19], [sflag:$0x1] =	stream.strided.gather @!p1 [hbm4b:s22+s24], $0x2000, s25, s24, $0x38;
	[tilespmem:$0x10100] =	vst v63  }
0x24: {  	s31 =	sadd.s32 $0xFFFFFFFF, s15;
	s20 =	sadd.s32 @!p1 s23, s20;
	s19 =	sor.u32 @!p1 $0x2000, s19  }
0x25: {  	[tilespmem:s19], [sflag:$0x1] =	stream.strided.gather @!p1 [hbm4b:s20+s24], $0x2000, s25, s24, $0x38;
	[tilespmem:$0x10100] =	vst v63  }
0x26: {  	p1 =	sge.u32 s31, s7  }
.Ltmp2:
0x27: {  	_ = 	snop;
	(pc) =	sbr.rel @p1 .LBB1_7-.Ltmp2, $1  }
0x28: {  	_ =	sdelay $0x3  }
0x29: {  	s19 =	simm.s32 $0x1;
	s21 =	sand.u32 $0x1, s15  }
0x2a: {  	_ =	swait.ge [sflag:s6], $0x4000;
	s19 =	simm.s32 @!p0 $0x0;
	s21 =	smul.u32 $0x10200, s21  }
0x2b: {  	p2 =	por $0x1, $0x1;
	[sflag:s6] =	ssyncset.done $0x0;
	s20 =	smul.u32 $0x10200, s19  }
0x2c: {  	s22 =	sshll.u32 s19, $0x10;
	[sflag:s6] =	ssyncadd.s32 $0xFFFFC000;
	s30 =	sshrl.u32 s21, $0x2  }
0x2d: {  	s31 =	sshrl.u32 s22, $0x2;
	s22 =	simm.s32 $0x0;
	s20 =	sshrl.u32 s20, $0x2  }
0x2e: {  	s19 =	sor.u32 $0x8000, s30;
	s21 =	sadd.s32 $0x20, s31;
	s20 =	sor.u32 $0x8000, s20  }
.LBB1_3:
0x2f: {  	s23 =	sshll.u32 s22, $0xD  }
0x30: {  	s23 =	sand.u32 $0x3FFFE000, s23  }
0x31: {  	s25 =	sadd.s32 s23, s21  }
0x32: {  	s31 =	smul.u32 $0x8100, s22;
	v3 =	vld [tilespmem:s25+$0x10]  }
0x33: {  	v1 =	vld [tilespmem:s25+$0xFFFFFFF0]  }
0x34: {  	s22 =	sshra.s32 s31, $0x2;
	v0 =	vld [tilespmem:s25+$0x0]  }
0x35: {  	s22 =	sadd.s32 s22, s20;
	v2 =	vld [tilespmem:s25+$0xFFFFFFE0]  }
0x36: {  	s23 =	sadd.s32 $0x0, s22  }
0x37: {  	p1 =	por p2, p2;
	s24 =	simm.s32 $0x4;
	s25 =	sadd.s32 $0x40, s25;
	[tilespmem:s23+$0x1830 ss:$0x81] =	vst.msk $0xffff, v3  }
.LBB1_4:
0x38: {  	v3 =	vld [tilespmem:s25+$0x10];
	p2 =	sne.s32 s24, $0x1FC;
	[tilespmem:s23+$0x810 ss:$0x81] =	vst.msk $0xffff, v1;
	s26 =	smov.u32 s24;
	s24 =	sadd.s32 $0x4, s24  }
.Ltmp3:
0x39: {  	v1 =	vld [tilespmem:s25+$0xFFFFFFF0];
	[tilespmem:s23+$0x1020 ss:$0x81] =	vst.msk $0xffff, v0;
	(pc) =	sbr.rel @p2 .LBB1_4-.Ltmp3, $4  }
0x3a: {  	v0 =	vld [tilespmem:s25+$0x0];
	[tilespmem:s23+$0x0 ss:$0x81] =	vst.msk $0xffff, v2  }
0x3b: {  	s23 =	sshra.s32 s26, $0x2;
	v2 =	vld [tilespmem:s25+$0xFFFFFFE0]  }
0x3c: {  	s23 =	sadd.s32 s23, s22  }
0x3d: {  	s25 =	sadd.s32 $0x40, s25;
	[tilespmem:s23+$0x1830 ss:$0x81] =	vst.msk $0xffff, v3  }
.Ltmp4:
0x3e: {  	(pc) =	sbr.rel @p1 .LBB1_3-.Ltmp4, $4  }
0x3f: {  	_ = 	snop  }
0x40: {  	[tilespmem:s23+$0x810 ss:$0x81] =	vst.msk $0xffff, v1  }
0x41: {  	[tilespmem:s23+$0x1020 ss:$0x81] =	vst.msk $0xffff, v0  }
0x42: {  	s22 =	simm.s32 $0x1;
	p2 =	por $0x0, $0x0;
	[tilespmem:s23+$0x0 ss:$0x81] =	vst.msk $0xffff, v2  }
0x43: {  	s20 =	sshll.u32 s16, $0x3;
	s21 =	sand.u32 $0x78, s16  }
0x44: {  	s18 =	sshll.u32 s18, $0x13;
	s17 =	sshll.u32 s17, $0xF;
	s29 =	sand.u32 $0x7E00, s16  }
.Ltmp5:
0x45: {  	s20 =	sand.u32 $0xC00, s20;
	s18 =	sadd.s32 s1, s18;
	(pc) =	sbr.rel .LBB1_7-.Ltmp5, $4  }
0x46: {  	s30 =	sand.u32 $0x7, s16;
	s20 =	sor.u32 s21, s20;
	s17 =	sadd.s32 s17, s18  }
0x47: {  	s16 =	sshll.u32 s30, $0x12;
	s31 =	sshrl.u32 s20, $0x3;
	s17 =	sadd.s32 s29, s17  }
0x48: {  	s16 =	sor.u32 $0x400, s16;
	s17 =	sadd.s32 s31, s17  }
0x49: {  	[hbm4b:s17+s16] =	stream.strided.scatter [tilespmem:s19], [sflag:$0x2], $0x4000, s11, s16, $0x20;
	[tilespmem:$0x10100] =	vst v63  }
.LBB1_8:
0x4a: {  	_ =	sfence.sel $0x180000  }
0x4b: {  	s1 =	simm.s32 $0x1;
	[bflag:$0x0] =	sbarrier.arrive $0xFFFF  }
0x4c: {  	s31 =	simm.s32 $0x2;
	[sflag:s1] =	ssyncpa.u1 $0x1  }
0x4d: {  	[sflag:s31] =	ssyncpa.u1 $0x1  }
0x4e: {  	p0 =	sne.s32 s0, $0x0;
	_ =	strace $0x90000047  }
0x4f: {  	s0 =	sadd.s32 @!p0 $0x100000, s5;
	[bflag:$0x2] =	sbarrier.arrive $0xFFFF  }
0x50: {  	[sflag:s0] =	ssyncadd.tile.s32 @!p0 $0x1;
	_ =	shalt  }
.Lfunc_end1:
_tile_overlayer_lowered:
.L_overlay_start_2:
0x51: {  	(tag) =	ssettag $0x2  }
0x52: {  	s0 =	rddreg [dreg:$0x0];
	s2 =	stileid.u32  }
0x53: {  	s1 =	rddreg [dreg:$0x1];
	p0 =	sne.s32 s2, $0x0  }
0x54: {  	s3 =	rddreg [dreg:$0x2];
	[bflag:$0x3] =	sbarrier.arrive $0xFFFF;
	s2 =	simm.s32 @!p0 $0x1C01  }
0x55: {  	[timem:s3], [sflag:s2] =	dma.local @!p0 [hbm:s0], s1  }
0x56: {  	s0 =	simm.s32 @!p0 $0x1  }
0x57: {  	_ =	swait.ge @!p0 [sflag:s0], s1  }
0x58: {  	s1 =	ssub.s32 @!p0 $0x0, s1;
	[sflag:s0] =	ssyncset.done @!p0 $0x0  }
0x59: {  	[sflag:s0] =	ssyncadd.s32 @!p0 s1  }
0x5a: {  	[bflag:$0x3] =	sbarrier.arrive $0xFFFF  }
0x5b: {  	_ =	shalt  }

</sc_bundles>
